<compile_context>
chip_gen: v7x
topology: tpu7x:2x2x1
jax: 0.10.2.dev20260603
libtpu: 0.0.44.dev20260713+nightly
codegen_flags: <defaults>
</compile_context>

<pallas_src>
import functools

import jax
import jax.numpy as jnp
from jax import lax
from jax.experimental import pallas as pl
from jax.experimental.pallas import tpu as pltpu
from jax.experimental.pallas import tpu_sc as plsc

BATCH = 16384
DIM = 64
LANES = 16
RELAYOUT_ROWS = 5000


def _relayout_body(a_ref, b_ref, o_ref):
    o_ref[:, 0:DIM] = a_ref[...]
    o_ref[:, DIM:2 * DIM] = b_ref[...]


def _relayout_tc(table):
    n = table.shape[0]
    half = n // 2
    grid = half // RELAYOUT_ROWS
    return pl.pallas_call(
        _relayout_body,
        grid=(grid,),
        in_specs=[
            pl.BlockSpec((RELAYOUT_ROWS, DIM), lambda i: (i, 0)),
            pl.BlockSpec((RELAYOUT_ROWS, DIM),
                         lambda i: (i + half // RELAYOUT_ROWS, 0)),
        ],
        out_specs=pl.BlockSpec((RELAYOUT_ROWS, 2 * DIM), lambda i: (i, 0)),
        out_shape=jax.ShapeDtypeStruct((half, 2 * DIM), jnp.float32),
    )(table, table)


def _emb_mul_body(table_hbm, lat_hbm, idxk_hbm, off_hbm, out_hbm,
                  off_sh, off_s, k_v, rows_v, lat_v, gsem, lsem, nc):
    wid = lax.axis_index("s") * nc + lax.axis_index("c")
    b_per_w = BATCH // (nc * 16)
    base = pl.multiple_of(wid * b_per_w, b_per_w)

    pltpu.sync_copy(off_hbm.at[pl.ds(base, b_per_w)], off_sh.at[wid])
    pltpu.sync_copy(off_sh.at[wid], off_s)
    pltpu.sync_copy(idxk_hbm.at[pl.ds(base, b_per_w)], k_v)

    chunk = b_per_w // 2
    for r in range(2):
        cbase = pl.multiple_of(base + r * chunk, chunk)
        latcp = pltpu.async_copy(lat_hbm.at[pl.ds(cbase, chunk)], lat_v, lsem)
        pltpu.async_copy(table_hbm.at[k_v.at[pl.ds(r * chunk, chunk)]],
                         rows_v, gsem).wait()
        latcp.wait()

        def mul(i, _):
            off = off_s[r * chunk + i]
            src = rows_v.at[i]
            for j in range(DIM // LANES):
                dsl = pl.ds(j * LANES, LANES)
                lat_v[i, dsl] = lat_v[i, dsl] * src[pl.ds(off + j * LANES,
                                                          LANES)]
            return 0

        lax.fori_loop(0, chunk, mul, 0)
        pltpu.sync_copy(lat_v, out_hbm.at[pl.ds(cbase, chunk)])


def kernel(latent, label, emb_table):
    info = plsc.get_sparse_core_info()
    nc = info.num_cores
    b_per_w = BATCH // (nc * info.num_subcores)
    mesh = plsc.VectorSubcoreMesh(core_axis_name="c", subcore_axis_name="s")
    fn = pl.kernel(
        functools.partial(_emb_mul_body, nc=nc),
        mesh=mesh,
        out_type=jax.ShapeDtypeStruct((BATCH, DIM), jnp.float32),
        scratch_types=[
            pltpu.VMEM_SHARED((32, b_per_w), jnp.int32),
            pltpu.SMEM((b_per_w,), jnp.int32),
            pltpu.VMEM((b_per_w,), jnp.int32),
            pltpu.VMEM((b_per_w // 2, 2 * DIM), jnp.float32),
            pltpu.VMEM((b_per_w // 2, DIM), jnp.float32),
            pltpu.SemaphoreType.DMA,
            pltpu.SemaphoreType.DMA,
        ],
    )
    label = label.astype(jnp.int32)
    table2 = emb_table.reshape(emb_table.shape[0] // 2, 2 * DIM)
    idx_k = lax.shift_right_logical(label, 1)
    idx_off = (label & 1) * DIM
    return fn(table2, latent, idx_k, idx_off)

# --- scband reference (transcript-rebuilt; emitter-appended) ---
"""Pipeline reference for scband-embedding-module-87033217286338 (READ-ONLY COPY).

The authoritative reference and input builder live on the scoring server;
editing this copy changes nothing except your own understanding.
"""

import jax, jax.numpy as jnp
import numpy as np

NUM_CLASS = 1000000
LATENT_DIM = 64
BATCH = 16384

def setup_inputs(seed: int = 0) -> dict:
    key = jax.random.key(seed)
    k1, k2, k3 = jax.random.split(key, 3)
    latent = jax.random.normal(k1, (BATCH, LATENT_DIM), dtype=jnp.float32)
    label = jax.random.randint(k2, (BATCH,), 0, NUM_CLASS, dtype=jnp.int64)
    emb_table = jax.random.normal(k3, (NUM_CLASS, LATENT_DIM), dtype=jnp.float32) * 0.02
    return {"latent": latent, "label": label, "emb_table": emb_table}

def reference(latent, label, emb_table):
    # nn.Embedding lookup: gather rows of the table
    embedding = jnp.take(emb_table, label, axis=0)  # [B, latent_dim]
    # nn.Flatten(start_dim=1) is a no-op on [B, latent_dim]
    embedding = embedding.reshape(embedding.shape[0], -1)
    return jnp.multiply(latent, embedding)

if __name__ == "__main__":
    import jax
    _d = setup_inputs()
    print(jax.jit(kernel)(*tuple(_d.values())))

</pallas_src>

<mosaic_0001>
#map = affine_map<(d0, d1) -> (0, 0)>
#map1 = affine_map<(d0, d1) -> (0)>
module attributes {stable_mosaic.version = 14 : i64} {
  func.func @_emb_mul_body(%arg0: i32, %arg1: i32, %arg2: memref<500000x128xf32, #tpu.memory_space<hbm>>, %arg3: memref<16384x64xf32, #tpu.memory_space<hbm>>, %arg4: memref<16384xi32, #tpu.memory_space<hbm>>, %arg5: memref<16384xi32, #tpu.memory_space<hbm>>, %arg6: memref<16384x64xf32, #tpu.memory_space<hbm>>, %arg7: memref<32x512xi32, #tpu.memory_space<vmem_shared>>, %arg8: memref<512xi32, #tpu.memory_space<smem>>, %arg9: memref<512xi32, #tpu.memory_space<vmem>>, %arg10: memref<256x128xf32, #tpu.memory_space<vmem>>, %arg11: memref<256x64xf32, #tpu.memory_space<vmem>>, %arg12: memref<!tpu.dma_semaphore, #tpu.memory_space<semaphore_mem>>, %arg13: memref<!tpu.dma_semaphore, #tpu.memory_space<semaphore_mem>>) attributes {dimension_semantics = [#tpu.dimension_semantics<core_parallel>, #tpu.dimension_semantics<subcore_parallel>], iteration_bounds = array<i64: 2, 16>, scalar_prefetch = 0 : i64, scratch_operands = 7 : i64, tpu.core_type = #tpu.core_type<sc_vector_subcore>, window_params = [{transform_indices = #map}, {transform_indices = #map}, {transform_indices = #map1}, {transform_indices = #map1}, {transform_indices = #map}]} {
    %mul3A = arith.constant 2 : i32
    %mul3A_0 = arith.muli %arg1, %mul3A : i32
    %add3A = arith.addi %mul3A_0, %arg0 : i32
    %mul3A_1 = arith.constant 512 : i32
    %mul3A_2 = arith.muli %add3A, %mul3A_1 : i32
    %multiple_of3A = tpu.assume_multiple %mul3A_2, 512 : i32
    "tpu.region"() ({
      %run_scoped3A = tpu.sem_alloc : memref<!tpu.dma_semaphore, #tpu.memory_space<semaphore_mem>>
      %dma_start3A_56 = arith.constant 0 : i32
      %dma_start3A_57 = tpu.memref_slice %arg7[%add3A, %dma_start3A_56] : memref<32x512xi32, #tpu.memory_space<vmem_shared>> -> memref<1x512xi32, #tpu.memory_space<vmem_shared>>
      %dma_start3A_58 = tpu.memref_squeeze %dma_start3A_57 : memref<1x512xi32, #tpu.memory_space<vmem_shared>> -> memref<512xi32, #tpu.memory_space<vmem_shared>>
      %dma_start3A_59 = tpu.memref_slice %arg5[%multiple_of3A] : memref<16384xi32, #tpu.memory_space<hbm>> -> memref<512xi32, #tpu.memory_space<hbm>>
      tpu.enqueue_dma source(%dma_start3A_59 : memref<512xi32, #tpu.memory_space<hbm>>) target(%dma_start3A_58 : memref<512xi32, #tpu.memory_space<vmem_shared>>) target_semaphore(%run_scoped3A : memref<!tpu.dma_semaphore, #tpu.memory_space<semaphore_mem>>)
      %dma_wait3A_60 = arith.constant 0 : i32
      %dma_wait3A_61 = tpu.memref_slice %arg7[%add3A, %dma_wait3A_60] : memref<32x512xi32, #tpu.memory_space<vmem_shared>> -> memref<1x512xi32, #tpu.memory_space<vmem_shared>>
      %dma_wait3A_62 = tpu.memref_squeeze %dma_wait3A_61 : memref<1x512xi32, #tpu.memory_space<vmem_shared>> -> memref<512xi32, #tpu.memory_space<vmem_shared>>
      %dma_wait3A_63 = tpu.memref_slice %arg5[%multiple_of3A] : memref<16384xi32, #tpu.memory_space<hbm>> -> memref<512xi32, #tpu.memory_space<hbm>>
      tpu.wait_dma2 semaphore(%run_scoped3A : memref<!tpu.dma_semaphore, #tpu.memory_space<semaphore_mem>>) src(%dma_wait3A_63 : memref<512xi32, #tpu.memory_space<hbm>>) dst(%dma_wait3A_62 : memref<512xi32, #tpu.memory_space<vmem_shared>>)
      tpu.yield
    }) : () -> ()
    "tpu.region"() ({
      %run_scoped3A = tpu.sem_alloc : memref<!tpu.dma_semaphore, #tpu.memory_space<semaphore_mem>>
      %dma_start3A_56 = arith.constant 0 : i32
      %dma_start3A_57 = tpu.memref_slice %arg7[%add3A, %dma_start3A_56] : memref<32x512xi32, #tpu.memory_space<vmem_shared>> -> memref<1x512xi32, #tpu.memory_space<vmem_shared>>
      %dma_start3A_58 = tpu.memref_squeeze %dma_start3A_57 : memref<1x512xi32, #tpu.memory_space<vmem_shared>> -> memref<512xi32, #tpu.memory_space<vmem_shared>>
      tpu.enqueue_dma source(%dma_start3A_58 : memref<512xi32, #tpu.memory_space<vmem_shared>>) target(%arg8 : memref<512xi32, #tpu.memory_space<smem>>) target_semaphore(%run_scoped3A : memref<!tpu.dma_semaphore, #tpu.memory_space<semaphore_mem>>)
      %dma_wait3A_59 = arith.constant 0 : i32
      %dma_wait3A_60 = tpu.memref_slice %arg7[%add3A, %dma_wait3A_59] : memref<32x512xi32, #tpu.memory_space<vmem_shared>> -> memref<1x512xi32, #tpu.memory_space<vmem_shared>>
      %dma_wait3A_61 = tpu.memref_squeeze %dma_wait3A_60 : memref<1x512xi32, #tpu.memory_space<vmem_shared>> -> memref<512xi32, #tpu.memory_space<vmem_shared>>
      tpu.wait_dma2 semaphore(%run_scoped3A : memref<!tpu.dma_semaphore, #tpu.memory_space<semaphore_mem>>) src(%dma_wait3A_61 : memref<512xi32, #tpu.memory_space<vmem_shared>>) dst(%arg8 : memref<512xi32, #tpu.memory_space<smem>>)
      tpu.yield
    }) : () -> ()
    "tpu.region"() ({
      %run_scoped3A = tpu.sem_alloc : memref<!tpu.dma_semaphore, #tpu.memory_space<semaphore_mem>>
      %dma_start3A_56 = tpu.memref_slice %arg4[%multiple_of3A] : memref<16384xi32, #tpu.memory_space<hbm>> -> memref<512xi32, #tpu.memory_space<hbm>>
      %dma_start3A_57 = tpu.memref_slice %arg4[%multiple_of3A] : memref<16384xi32, #tpu.memory_space<hbm>> -> memref<512xi32, #tpu.memory_space<hbm>>
      tpu.enqueue_dma source(%dma_start3A_57 : memref<512xi32, #tpu.memory_space<hbm>>) target(%arg9 : memref<512xi32, #tpu.memory_space<vmem>>) target_semaphore(%run_scoped3A : memref<!tpu.dma_semaphore, #tpu.memory_space<semaphore_mem>>)
      %dma_wait3A_58 = tpu.memref_slice %arg4[%multiple_of3A] : memref<16384xi32, #tpu.memory_space<hbm>> -> memref<512xi32, #tpu.memory_space<hbm>>
      %dma_wait3A_59 = tpu.memref_slice %arg4[%multiple_of3A] : memref<16384xi32, #tpu.memory_space<hbm>> -> memref<512xi32, #tpu.memory_space<hbm>>
      tpu.wait_dma2 semaphore(%run_scoped3A : memref<!tpu.dma_semaphore, #tpu.memory_space<semaphore_mem>>) src(%dma_wait3A_59 : memref<512xi32, #tpu.memory_space<hbm>>) dst(%arg9 : memref<512xi32, #tpu.memory_space<vmem>>)
      tpu.yield
    }) : () -> ()
    %add3A_3 = arith.constant 0 : i32
    %add3A_4 = arith.addi %multiple_of3A, %add3A_3 : i32
    %multiple_of3A_5 = tpu.assume_multiple %add3A_4, 256 : i32
    %dma_start3A = arith.constant 0 : i32
    %dma_start3A_6 = tpu.memref_slice %arg3[%multiple_of3A_5, %dma_start3A] : memref<16384x64xf32, #tpu.memory_space<hbm>> -> memref<256x64xf32, #tpu.memory_space<hbm>>
    %dma_start3A_7 = arith.constant 0 : i32
    %dma_start3A_8 = tpu.memref_slice %arg3[%multiple_of3A_5, %dma_start3A_7] : memref<16384x64xf32, #tpu.memory_space<hbm>> -> memref<256x64xf32, #tpu.memory_space<hbm>>
    tpu.enqueue_dma source(%dma_start3A_8 : memref<256x64xf32, #tpu.memory_space<hbm>>) target(%arg11 : memref<256x64xf32, #tpu.memory_space<vmem>>) target_semaphore(%arg13 : memref<!tpu.dma_semaphore, #tpu.memory_space<semaphore_mem>>)
    %dma_start3A_9 = arith.constant 0 : i32
    %dma_start3A_10 = tpu.memref_slice %arg9[%dma_start3A_9] : memref<512xi32, #tpu.memory_space<vmem>> -> memref<256xi32, #tpu.memory_space<vmem>>
    %dma_start3A_11 = arith.constant 0 : i32
    %dma_start3A_12 = arith.constant 0 : i32
    %dma_start3A_13 = tpu.memref_slice %arg2[%dma_start3A_11, %dma_start3A_12] : memref<500000x128xf32, #tpu.memory_space<hbm>> -> memref<500000x128xf32, #tpu.memory_space<hbm>>
    tpu.enqueue_indirect_dma source(%dma_start3A_13 : memref<500000x128xf32, #tpu.memory_space<hbm>>) target(%arg10 : memref<256x128xf32, #tpu.memory_space<vmem>>) offsets(%dma_start3A_10 : memref<256xi32, #tpu.memory_space<vmem>>) semaphore(%arg12 : memref<!tpu.dma_semaphore, #tpu.memory_space<semaphore_mem>>)
    %dma_wait3A = arith.constant 0 : i32
    %dma_wait3A_14 = tpu.memref_slice %arg9[%dma_wait3A] : memref<512xi32, #tpu.memory_space<vmem>> -> memref<256xi32, #tpu.memory_space<vmem>>
    %dma_wait3A_15 = arith.constant 0 : i32
    %dma_wait3A_16 = arith.constant 0 : i32
    %dma_wait3A_17 = tpu.memref_slice %arg2[%dma_wait3A_15, %dma_wait3A_16] : memref<500000x128xf32, #tpu.memory_space<hbm>> -> memref<500000x128xf32, #tpu.memory_space<hbm>>
    tpu.wait_indirect_dma semaphore(%arg12 : memref<!tpu.dma_semaphore, #tpu.memory_space<semaphore_mem>>) src(%dma_wait3A_17 : memref<500000x128xf32, #tpu.memory_space<hbm>>) dst(%arg10 : memref<256x128xf32, #tpu.memory_space<vmem>>)
    %dma_wait3A_18 = arith.constant 0 : i32
    %dma_wait3A_19 = tpu.memref_slice %arg3[%multiple_of3A_5, %dma_wait3A_18] : memref<16384x64xf32, #tpu.memory_space<hbm>> -> memref<256x64xf32, #tpu.memory_space<hbm>>
    %dma_wait3A_20 = arith.constant 0 : i32
    %dma_wait3A_21 = tpu.memref_slice %arg3[%multiple_of3A_5, %dma_wait3A_20] : memref<16384x64xf32, #tpu.memory_space<hbm>> -> memref<256x64xf32, #tpu.memory_space<hbm>>
    tpu.wait_dma2 semaphore(%arg13 : memref<!tpu.dma_semaphore, #tpu.memory_space<semaphore_mem>>) src(%dma_wait3A_21 : memref<256x64xf32, #tpu.memory_space<hbm>>) dst(%arg11 : memref<256x64xf32, #tpu.memory_space<vmem>>)
    %scan3A = arith.constant 0 : i32
    %scan3A_22 = arith.constant 0 : i32
    %scan3A_23 = arith.constant 256 : i32
    %scan3A_24 = arith.addi %scan3A_22, %scan3A_23 : i32
    %scan3A_25 = arith.constant 1 : i32
    %scan3A_26 = scf.for %scan3A_56 = %scan3A_22 to %scan3A_24 step %scan3A_25 iter_args(%scan3A_57 = %scan3A) -> (i32)  : i32 {
      %add3A_58 = arith.constant 0 : i32
      %add3A_59 = arith.addi %add3A_58, %scan3A_56 : i32
      %get3A = arith.index_cast %add3A_59 : i32 to index
      %get3A_60 = memref.load %arg8[%get3A] : memref<512xi32, #tpu.memory_space<smem>>
      %get3A_61 = arith.index_cast %scan3A_56 : i32 to index
      %get3A_62 = arith.constant 0 : index
      %get3A_63 = tpu.vector_load %arg11[%get3A_61, %get3A_62] {strides = array<i32>} : memref<256x64xf32, #tpu.memory_space<vmem>>, vector<1x16xf32>,
      %get3A_64 = vector.shape_cast %get3A_63 : vector<1x16xf32> to vector<16xf32>
      %add3A_65 = arith.constant 0 : i32
      %add3A_66 = arith.addi %get3A_60, %add3A_65 : i32
      %get3A_67 = arith.constant 0 : i32
      %get3A_68 = tpu.memref_slice %arg10[%scan3A_56, %get3A_67] : memref<256x128xf32, #tpu.memory_space<vmem>> -> memref<1x128xf32, #tpu.memory_space<vmem>>
      %get3A_69 = tpu.memref_squeeze %get3A_68 : memref<1x128xf32, #tpu.memory_space<vmem>> -> memref<128xf32, #tpu.memory_space<vmem>>
      %get3A_70 = arith.index_cast %add3A_66 : i32 to index
      %get3A_71 = tpu.vector_load %get3A_69[%get3A_70] {strides = array<i32>} : memref<128xf32, #tpu.memory_space<vmem>>, vector<16xf32>,
      %get3A_72 = vector.shape_cast %get3A_71 : vector<16xf32> to vector<16xf32>
      %mul3A_73 = arith.mulf %get3A_64, %get3A_72 : vector<16xf32>
      %swap3A = arith.index_cast %scan3A_56 : i32 to index
      %swap3A_74 = arith.constant 0 : index
      %swap3A_75 = tpu.vector_load %arg11[%swap3A, %swap3A_74] {strides = array<i32>} : memref<256x64xf32, #tpu.memory_space<vmem>>, vector<1x16xf32>,
      %swap3A_76 = vector.shape_cast %swap3A_75 : vector<1x16xf32> to vector<16xf32>
      %swap3A_77 = vector.shape_cast %mul3A_73 : vector<16xf32> to vector<1x16xf32>
      tpu.vector_store %arg11[%swap3A, %swap3A_74], %swap3A_77 {strides = array<i32>} : memref<256x64xf32, #tpu.memory_space<vmem>>, vector<1x16xf32>,
      %get3A_78 = arith.index_cast %scan3A_56 : i32 to index
      %get3A_79 = arith.constant 16 : index
      %get3A_80 = tpu.vector_load %arg11[%get3A_78, %get3A_79] {strides = array<i32>} : memref<256x64xf32, #tpu.memory_space<vmem>>, vector<1x16xf32>,
      %get3A_81 = vector.shape_cast %get3A_80 : vector<1x16xf32> to vector<16xf32>
      %add3A_82 = arith.constant 16 : i32
      %add3A_83 = arith.addi %get3A_60, %add3A_82 : i32
      %get3A_84 = arith.constant 0 : i32
      %get3A_85 = tpu.memref_slice %arg10[%scan3A_56, %get3A_84] : memref<256x128xf32, #tpu.memory_space<vmem>> -> memref<1x128xf32, #tpu.memory_space<vmem>>
      %get3A_86 = tpu.memref_squeeze %get3A_85 : memref<1x128xf32, #tpu.memory_space<vmem>> -> memref<128xf32, #tpu.memory_space<vmem>>
      %get3A_87 = arith.index_cast %add3A_83 : i32 to index
      %get3A_88 = tpu.vector_load %get3A_86[%get3A_87] {strides = array<i32>} : memref<128xf32, #tpu.memory_space<vmem>>, vector<16xf32>,
      %get3A_89 = vector.shape_cast %get3A_88 : vector<16xf32> to vector<16xf32>
      %mul3A_90 = arith.mulf %get3A_81, %get3A_89 : vector<16xf32>
      %swap3A_91 = arith.index_cast %scan3A_56 : i32 to index
      %swap3A_92 = arith.constant 16 : index
      %swap3A_93 = tpu.vector_load %arg11[%swap3A_91, %swap3A_92] {strides = array<i32>} : memref<256x64xf32, #tpu.memory_space<vmem>>, vector<1x16xf32>,
      %swap3A_94 = vector.shape_cast %swap3A_93 : vector<1x16xf32> to vector<16xf32>
      %swap3A_95 = vector.shape_cast %mul3A_90 : vector<16xf32> to vector<1x16xf32>
      tpu.vector_store %arg11[%swap3A_91, %swap3A_92], %swap3A_95 {strides = array<i32>} : memref<256x64xf32, #tpu.memory_space<vmem>>, vector<1x16xf32>,
      %get3A_96 = arith.index_cast %scan3A_56 : i32 to index
      %get3A_97 = arith.constant 32 : index
      %get3A_98 = tpu.vector_load %arg11[%get3A_96, %get3A_97] {strides = array<i32>} : memref<256x64xf32, #tpu.memory_space<vmem>>, vector<1x16xf32>,
      %get3A_99 = vector.shape_cast %get3A_98 : vector<1x16xf32> to vector<16xf32>
      %add3A_100 = arith.constant 32 : i32
      %add3A_101 = arith.addi %get3A_60, %add3A_100 : i32
      %get3A_102 = arith.constant 0 : i32
      %get3A_103 = tpu.memref_slice %arg10[%scan3A_56, %get3A_102] : memref<256x128xf32, #tpu.memory_space<vmem>> -> memref<1x128xf32, #tpu.memory_space<vmem>>
      %get3A_104 = tpu.memref_squeeze %get3A_103 : memref<1x128xf32, #tpu.memory_space<vmem>> -> memref<128xf32, #tpu.memory_space<vmem>>
      %get3A_105 = arith.index_cast %add3A_101 : i32 to index
      %get3A_106 = tpu.vector_load %get3A_104[%get3A_105] {strides = array<i32>} : memref<128xf32, #tpu.memory_space<vmem>>, vector<16xf32>,
      %get3A_107 = vector.shape_cast %get3A_106 : vector<16xf32> to vector<16xf32>
      %mul3A_108 = arith.mulf %get3A_99, %get3A_107 : vector<16xf32>
      %swap3A_109 = arith.index_cast %scan3A_56 : i32 to index
      %swap3A_110 = arith.constant 32 : index
      %swap3A_111 = tpu.vector_load %arg11[%swap3A_109, %swap3A_110] {strides = array<i32>} : memref<256x64xf32, #tpu.memory_space<vmem>>, vector<1x16xf32>,
      %swap3A_112 = vector.shape_cast %swap3A_111 : vector<1x16xf32> to vector<16xf32>
      %swap3A_113 = vector.shape_cast %mul3A_108 : vector<16xf32> to vector<1x16xf32>
      tpu.vector_store %arg11[%swap3A_109, %swap3A_110], %swap3A_113 {strides = array<i32>} : memref<256x64xf32, #tpu.memory_space<vmem>>, vector<1x16xf32>,
      %get3A_114 = arith.index_cast %scan3A_56 : i32 to index
      %get3A_115 = arith.constant 48 : index
      %get3A_116 = tpu.vector_load %arg11[%get3A_114, %get3A_115] {strides = array<i32>} : memref<256x64xf32, #tpu.memory_space<vmem>>, vector<1x16xf32>,
      %get3A_117 = vector.shape_cast %get3A_116 : vector<1x16xf32> to vector<16xf32>
      %add3A_118 = arith.constant 48 : i32
      %add3A_119 = arith.addi %get3A_60, %add3A_118 : i32
      %get3A_120 = arith.constant 0 : i32
      %get3A_121 = tpu.memref_slice %arg10[%scan3A_56, %get3A_120] : memref<256x128xf32, #tpu.memory_space<vmem>> -> memref<1x128xf32, #tpu.memory_space<vmem>>
      %get3A_122 = tpu.memref_squeeze %get3A_121 : memref<1x128xf32, #tpu.memory_space<vmem>> -> memref<128xf32, #tpu.memory_space<vmem>>
      %get3A_123 = arith.index_cast %add3A_119 : i32 to index
      %get3A_124 = tpu.vector_load %get3A_122[%get3A_123] {strides = array<i32>} : memref<128xf32, #tpu.memory_space<vmem>>, vector<16xf32>,
      %get3A_125 = vector.shape_cast %get3A_124 : vector<16xf32> to vector<16xf32>
      %mul3A_126 = arith.mulf %get3A_117, %get3A_125 : vector<16xf32>
      %swap3A_127 = arith.index_cast %scan3A_56 : i32 to index
      %swap3A_128 = arith.constant 48 : index
      %swap3A_129 = tpu.vector_load %arg11[%swap3A_127, %swap3A_128] {strides = array<i32>} : memref<256x64xf32, #tpu.memory_space<vmem>>, vector<1x16xf32>,
      %swap3A_130 = vector.shape_cast %swap3A_129 : vector<1x16xf32> to vector<16xf32>
      %swap3A_131 = vector.shape_cast %mul3A_126 : vector<16xf32> to vector<1x16xf32>
      tpu.vector_store %arg11[%swap3A_127, %swap3A_128], %swap3A_131 {strides = array<i32>} : memref<256x64xf32, #tpu.memory_space<vmem>>, vector<1x16xf32>,
      %scan3A_132 = arith.constant 0 : i32
      scf.yield %scan3A_132 : i32
    }
    %scan3A_27 = arith.constant 256 : i32
    "tpu.region"() ({
      %run_scoped3A = tpu.sem_alloc : memref<!tpu.dma_semaphore, #tpu.memory_space<semaphore_mem>>
      %dma_start3A_56 = arith.constant 0 : i32
      %dma_start3A_57 = tpu.memref_slice %arg6[%multiple_of3A_5, %dma_start3A_56] : memref<16384x64xf32, #tpu.memory_space<hbm>> -> memref<256x64xf32, #tpu.memory_space<hbm>>
      %dma_start3A_58 = arith.constant 0 : i32
      %dma_start3A_59 = tpu.memref_slice %arg6[%multiple_of3A_5, %dma_start3A_58] : memref<16384x64xf32, #tpu.memory_space<hbm>> -> memref<256x64xf32, #tpu.memory_space<hbm>>
      tpu.enqueue_dma source(%arg11 : memref<256x64xf32, #tpu.memory_space<vmem>>) target(%dma_start3A_59 : memref<256x64xf32, #tpu.memory_space<hbm>>) target_semaphore(%run_scoped3A : memref<!tpu.dma_semaphore, #tpu.memory_space<semaphore_mem>>)
      %dma_wait3A_60 = arith.constant 0 : i32
      %dma_wait3A_61 = tpu.memref_slice %arg6[%multiple_of3A_5, %dma_wait3A_60] : memref<16384x64xf32, #tpu.memory_space<hbm>> -> memref<256x64xf32, #tpu.memory_space<hbm>>
      %dma_wait3A_62 = arith.constant 0 : i32
      %dma_wait3A_63 = tpu.memref_slice %arg6[%multiple_of3A_5, %dma_wait3A_62] : memref<16384x64xf32, #tpu.memory_space<hbm>> -> memref<256x64xf32, #tpu.memory_space<hbm>>
      tpu.wait_dma2 semaphore(%run_scoped3A : memref<!tpu.dma_semaphore, #tpu.memory_space<semaphore_mem>>) src(%arg11 : memref<256x64xf32, #tpu.memory_space<vmem>>) dst(%dma_wait3A_63 : memref<256x64xf32, #tpu.memory_space<hbm>>)
      tpu.yield
    }) : () -> ()
    %add3A_28 = arith.constant 256 : i32
    %add3A_29 = arith.addi %multiple_of3A, %add3A_28 : i32
    %multiple_of3A_30 = tpu.assume_multiple %add3A_29, 256 : i32
    %dma_start3A_31 = arith.constant 0 : i32
    %dma_start3A_32 = tpu.memref_slice %arg3[%multiple_of3A_30, %dma_start3A_31] : memref<16384x64xf32, #tpu.memory_space<hbm>> -> memref<256x64xf32, #tpu.memory_space<hbm>>
    %dma_start3A_33 = arith.constant 0 : i32
    %dma_start3A_34 = tpu.memref_slice %arg3[%multiple_of3A_30, %dma_start3A_33] : memref<16384x64xf32, #tpu.memory_space<hbm>> -> memref<256x64xf32, #tpu.memory_space<hbm>>
    tpu.enqueue_dma source(%dma_start3A_34 : memref<256x64xf32, #tpu.memory_space<hbm>>) target(%arg11 : memref<256x64xf32, #tpu.memory_space<vmem>>) target_semaphore(%arg13 : memref<!tpu.dma_semaphore, #tpu.memory_space<semaphore_mem>>)
    %dma_start3A_35 = arith.constant 256 : i32
    %dma_start3A_36 = tpu.memref_slice %arg9[%dma_start3A_35] : memref<512xi32, #tpu.memory_space<vmem>> -> memref<256xi32, #tpu.memory_space<vmem>>
    %dma_start3A_37 = arith.constant 0 : i32
    %dma_start3A_38 = arith.constant 0 : i32
    %dma_start3A_39 = tpu.memref_slice %arg2[%dma_start3A_37, %dma_start3A_38] : memref<500000x128xf32, #tpu.memory_space<hbm>> -> memref<500000x128xf32, #tpu.memory_space<hbm>>
    tpu.enqueue_indirect_dma source(%dma_start3A_39 : memref<500000x128xf32, #tpu.memory_space<hbm>>) target(%arg10 : memref<256x128xf32, #tpu.memory_space<vmem>>) offsets(%dma_start3A_36 : memref<256xi32, #tpu.memory_space<vmem>>) semaphore(%arg12 : memref<!tpu.dma_semaphore, #tpu.memory_space<semaphore_mem>>)
    %dma_wait3A_40 = arith.constant 256 : i32
    %dma_wait3A_41 = tpu.memref_slice %arg9[%dma_wait3A_40] : memref<512xi32, #tpu.memory_space<vmem>> -> memref<256xi32, #tpu.memory_space<vmem>>
    %dma_wait3A_42 = arith.constant 0 : i32
    %dma_wait3A_43 = arith.constant 0 : i32
    %dma_wait3A_44 = tpu.memref_slice %arg2[%dma_wait3A_42, %dma_wait3A_43] : memref<500000x128xf32, #tpu.memory_space<hbm>> -> memref<500000x128xf32, #tpu.memory_space<hbm>>
    tpu.wait_indirect_dma semaphore(%arg12 : memref<!tpu.dma_semaphore, #tpu.memory_space<semaphore_mem>>) src(%dma_wait3A_44 : memref<500000x128xf32, #tpu.memory_space<hbm>>) dst(%arg10 : memref<256x128xf32, #tpu.memory_space<vmem>>)
    %dma_wait3A_45 = arith.constant 0 : i32
    %dma_wait3A_46 = tpu.memref_slice %arg3[%multiple_of3A_30, %dma_wait3A_45] : memref<16384x64xf32, #tpu.memory_space<hbm>> -> memref<256x64xf32, #tpu.memory_space<hbm>>
    %dma_wait3A_47 = arith.constant 0 : i32
    %dma_wait3A_48 = tpu.memref_slice %arg3[%multiple_of3A_30, %dma_wait3A_47] : memref<16384x64xf32, #tpu.memory_space<hbm>> -> memref<256x64xf32, #tpu.memory_space<hbm>>
    tpu.wait_dma2 semaphore(%arg13 : memref<!tpu.dma_semaphore, #tpu.memory_space<semaphore_mem>>) src(%dma_wait3A_48 : memref<256x64xf32, #tpu.memory_space<hbm>>) dst(%arg11 : memref<256x64xf32, #tpu.memory_space<vmem>>)
    %scan3A_49 = arith.constant 0 : i32
    %scan3A_50 = arith.constant 0 : i32
    %scan3A_51 = arith.constant 256 : i32
    %scan3A_52 = arith.addi %scan3A_50, %scan3A_51 : i32
    %scan3A_53 = arith.constant 1 : i32
    %scan3A_54 = scf.for %scan3A_56 = %scan3A_50 to %scan3A_52 step %scan3A_53 iter_args(%scan3A_57 = %scan3A_49) -> (i32)  : i32 {
      %add3A_58 = arith.constant 256 : i32
      %add3A_59 = arith.addi %add3A_58, %scan3A_56 : i32
      %get3A = arith.index_cast %add3A_59 : i32 to index
      %get3A_60 = memref.load %arg8[%get3A] : memref<512xi32, #tpu.memory_space<smem>>
      %get3A_61 = arith.index_cast %scan3A_56 : i32 to index
      %get3A_62 = arith.constant 0 : index
      %get3A_63 = tpu.vector_load %arg11[%get3A_61, %get3A_62] {strides = array<i32>} : memref<256x64xf32, #tpu.memory_space<vmem>>, vector<1x16xf32>,
      %get3A_64 = vector.shape_cast %get3A_63 : vector<1x16xf32> to vector<16xf32>
      %add3A_65 = arith.constant 0 : i32
      %add3A_66 = arith.addi %get3A_60, %add3A_65 : i32
      %get3A_67 = arith.constant 0 : i32
      %get3A_68 = tpu.memref_slice %arg10[%scan3A_56, %get3A_67] : memref<256x128xf32, #tpu.memory_space<vmem>> -> memref<1x128xf32, #tpu.memory_space<vmem>>
      %get3A_69 = tpu.memref_squeeze %get3A_68 : memref<1x128xf32, #tpu.memory_space<vmem>> -> memref<128xf32, #tpu.memory_space<vmem>>
      %get3A_70 = arith.index_cast %add3A_66 : i32 to index
      %get3A_71 = tpu.vector_load %get3A_69[%get3A_70] {strides = array<i32>} : memref<128xf32, #tpu.memory_space<vmem>>, vector<16xf32>,
      %get3A_72 = vector.shape_cast %get3A_71 : vector<16xf32> to vector<16xf32>
      %mul3A_73 = arith.mulf %get3A_64, %get3A_72 : vector<16xf32>
      %swap3A = arith.index_cast %scan3A_56 : i32 to index
      %swap3A_74 = arith.constant 0 : index
      %swap3A_75 = tpu.vector_load %arg11[%swap3A, %swap3A_74] {strides = array<i32>} : memref<256x64xf32, #tpu.memory_space<vmem>>, vector<1x16xf32>,
      %swap3A_76 = vector.shape_cast %swap3A_75 : vector<1x16xf32> to vector<16xf32>
      %swap3A_77 = vector.shape_cast %mul3A_73 : vector<16xf32> to vector<1x16xf32>
      tpu.vector_store %arg11[%swap3A, %swap3A_74], %swap3A_77 {strides = array<i32>} : memref<256x64xf32, #tpu.memory_space<vmem>>, vector<1x16xf32>,
      %get3A_78 = arith.index_cast %scan3A_56 : i32 to index
      %get3A_79 = arith.constant 16 : index
      %get3A_80 = tpu.vector_load %arg11[%get3A_78, %get3A_79] {strides = array<i32>} : memref<256x64xf32, #tpu.memory_space<vmem>>, vector<1x16xf32>,
      %get3A_81 = vector.shape_cast %get3A_80 : vector<1x16xf32> to vector<16xf32>
      %add3A_82 = arith.constant 16 : i32
      %add3A_83 = arith.addi %get3A_60, %add3A_82 : i32
      %get3A_84 = arith.constant 0 : i32
      %get3A_85 = tpu.memref_slice %arg10[%scan3A_56, %get3A_84] : memref<256x128xf32, #tpu.memory_space<vmem>> -> memref<1x128xf32, #tpu.memory_space<vmem>>
      %get3A_86 = tpu.memref_squeeze %get3A_85 : memref<1x128xf32, #tpu.memory_space<vmem>> -> memref<128xf32, #tpu.memory_space<vmem>>
      %get3A_87 = arith.index_cast %add3A_83 : i32 to index
      %get3A_88 = tpu.vector_load %get3A_86[%get3A_87] {strides = array<i32>} : memref<128xf32, #tpu.memory_space<vmem>>, vector<16xf32>,
      %get3A_89 = vector.shape_cast %get3A_88 : vector<16xf32> to vector<16xf32>
      %mul3A_90 = arith.mulf %get3A_81, %get3A_89 : vector<16xf32>
      %swap3A_91 = arith.index_cast %scan3A_56 : i32 to index
      %swap3A_92 = arith.constant 16 : index
      %swap3A_93 = tpu.vector_load %arg11[%swap3A_91, %swap3A_92] {strides = array<i32>} : memref<256x64xf32, #tpu.memory_space<vmem>>, vector<1x16xf32>,
      %swap3A_94 = vector.shape_cast %swap3A_93 : vector<1x16xf32> to vector<16xf32>
      %swap3A_95 = vector.shape_cast %mul3A_90 : vector<16xf32> to vector<1x16xf32>
      tpu.vector_store %arg11[%swap3A_91, %swap3A_92], %swap3A_95 {strides = array<i32>} : memref<256x64xf32, #tpu.memory_space<vmem>>, vector<1x16xf32>,
      %get3A_96 = arith.index_cast %scan3A_56 : i32 to index
      %get3A_97 = arith.constant 32 : index
      %get3A_98 = tpu.vector_load %arg11[%get3A_96, %get3A_97] {strides = array<i32>} : memref<256x64xf32, #tpu.memory_space<vmem>>, vector<1x16xf32>,
      %get3A_99 = vector.shape_cast %get3A_98 : vector<1x16xf32> to vector<16xf32>
      %add3A_100 = arith.constant 32 : i32
      %add3A_101 = arith.addi %get3A_60, %add3A_100 : i32
      %get3A_102 = arith.constant 0 : i32
      %get3A_103 = tpu.memref_slice %arg10[%scan3A_56, %get3A_102] : memref<256x128xf32, #tpu.memory_space<vmem>> -> memref<1x128xf32, #tpu.memory_space<vmem>>
      %get3A_104 = tpu.memref_squeeze %get3A_103 : memref<1x128xf32, #tpu.memory_space<vmem>> -> memref<128xf32, #tpu.memory_space<vmem>>
      %get3A_105 = arith.index_cast %add3A_101 : i32 to index
      %get3A_106 = tpu.vector_load %get3A_104[%get3A_105] {strides = array<i32>} : memref<128xf32, #tpu.memory_space<vmem>>, vector<16xf32>,
      %get3A_107 = vector.shape_cast %get3A_106 : vector<16xf32> to vector<16xf32>
      %mul3A_108 = arith.mulf %get3A_99, %get3A_107 : vector<16xf32>
      %swap3A_109 = arith.index_cast %scan3A_56 : i32 to index
      %swap3A_110 = arith.constant 32 : index
      %swap3A_111 = tpu.vector_load %arg11[%swap3A_109, %swap3A_110] {strides = array<i32>} : memref<256x64xf32, #tpu.memory_space<vmem>>, vector<1x16xf32>,
      %swap3A_112 = vector.shape_cast %swap3A_111 : vector<1x16xf32> to vector<16xf32>
      %swap3A_113 = vector.shape_cast %mul3A_108 : vector<16xf32> to vector<1x16xf32>
      tpu.vector_store %arg11[%swap3A_109, %swap3A_110], %swap3A_113 {strides = array<i32>} : memref<256x64xf32, #tpu.memory_space<vmem>>, vector<1x16xf32>,
      %get3A_114 = arith.index_cast %scan3A_56 : i32 to index
      %get3A_115 = arith.constant 48 : index
      %get3A_116 = tpu.vector_load %arg11[%get3A_114, %get3A_115] {strides = array<i32>} : memref<256x64xf32, #tpu.memory_space<vmem>>, vector<1x16xf32>,
      %get3A_117 = vector.shape_cast %get3A_116 : vector<1x16xf32> to vector<16xf32>
      %add3A_118 = arith.constant 48 : i32
      %add3A_119 = arith.addi %get3A_60, %add3A_118 : i32
      %get3A_120 = arith.constant 0 : i32
      %get3A_121 = tpu.memref_slice %arg10[%scan3A_56, %get3A_120] : memref<256x128xf32, #tpu.memory_space<vmem>> -> memref<1x128xf32, #tpu.memory_space<vmem>>
      %get3A_122 = tpu.memref_squeeze %get3A_121 : memref<1x128xf32, #tpu.memory_space<vmem>> -> memref<128xf32, #tpu.memory_space<vmem>>
      %get3A_123 = arith.index_cast %add3A_119 : i32 to index
      %get3A_124 = tpu.vector_load %get3A_122[%get3A_123] {strides = array<i32>} : memref<128xf32, #tpu.memory_space<vmem>>, vector<16xf32>,
      %get3A_125 = vector.shape_cast %get3A_124 : vector<16xf32> to vector<16xf32>
      %mul3A_126 = arith.mulf %get3A_117, %get3A_125 : vector<16xf32>
      %swap3A_127 = arith.index_cast %scan3A_56 : i32 to index
      %swap3A_128 = arith.constant 48 : index
      %swap3A_129 = tpu.vector_load %arg11[%swap3A_127, %swap3A_128] {strides = array<i32>} : memref<256x64xf32, #tpu.memory_space<vmem>>, vector<1x16xf32>,
      %swap3A_130 = vector.shape_cast %swap3A_129 : vector<1x16xf32> to vector<16xf32>
      %swap3A_131 = vector.shape_cast %mul3A_126 : vector<16xf32> to vector<1x16xf32>
      tpu.vector_store %arg11[%swap3A_127, %swap3A_128], %swap3A_131 {strides = array<i32>} : memref<256x64xf32, #tpu.memory_space<vmem>>, vector<1x16xf32>,
      %scan3A_132 = arith.constant 0 : i32
      scf.yield %scan3A_132 : i32
    }
    %scan3A_55 = arith.constant 256 : i32
    "tpu.region"() ({
      %run_scoped3A = tpu.sem_alloc : memref<!tpu.dma_semaphore, #tpu.memory_space<semaphore_mem>>
      %dma_start3A_56 = arith.constant 0 : i32
      %dma_start3A_57 = tpu.memref_slice %arg6[%multiple_of3A_30, %dma_start3A_56] : memref<16384x64xf32, #tpu.memory_space<hbm>> -> memref<256x64xf32, #tpu.memory_space<hbm>>
      %dma_start3A_58 = arith.constant 0 : i32
      %dma_start3A_59 = tpu.memref_slice %arg6[%multiple_of3A_30, %dma_start3A_58] : memref<16384x64xf32, #tpu.memory_space<hbm>> -> memref<256x64xf32, #tpu.memory_space<hbm>>
      tpu.enqueue_dma source(%arg11 : memref<256x64xf32, #tpu.memory_space<vmem>>) target(%dma_start3A_59 : memref<256x64xf32, #tpu.memory_space<hbm>>) target_semaphore(%run_scoped3A : memref<!tpu.dma_semaphore, #tpu.memory_space<semaphore_mem>>)
      %dma_wait3A_60 = arith.constant 0 : i32
      %dma_wait3A_61 = tpu.memref_slice %arg6[%multiple_of3A_30, %dma_wait3A_60] : memref<16384x64xf32, #tpu.memory_space<hbm>> -> memref<256x64xf32, #tpu.memory_space<hbm>>
      %dma_wait3A_62 = arith.constant 0 : i32
      %dma_wait3A_63 = tpu.memref_slice %arg6[%multiple_of3A_30, %dma_wait3A_62] : memref<16384x64xf32, #tpu.memory_space<hbm>> -> memref<256x64xf32, #tpu.memory_space<hbm>>
      tpu.wait_dma2 semaphore(%run_scoped3A : memref<!tpu.dma_semaphore, #tpu.memory_space<semaphore_mem>>) src(%arg11 : memref<256x64xf32, #tpu.memory_space<vmem>>) dst(%dma_wait3A_63 : memref<256x64xf32, #tpu.memory_space<hbm>>)
      tpu.yield
    }) : () -> ()
    return
  }
}

</mosaic_0001>

<sc_bundles>
// kernel: kernel.3.cloned.1.call-start
scs
__scs_entry_jumppad:
0x0: {  	(pc) =	sbr.rel $0x88, $3  }
0x1: {  	(tag) =	ssettag $0x0;
	lr =	simm.s32 $0x1  }
0x2: {  	[smem:$0x3F9E] =	sst lr;
	_ =	strace $0xD0000000  }
0x3: {  	_ = 	snop  }
0x4: {  	_ = 	snop  }
0x5: {  	_ = 	snop  }
0x6: {  	_ = 	snop  }
0x7: {  	_ = 	snop  }
__scs_overlays_trampoline_lowered:
0x8: {  	[smem:$0x3FAD] =	sst s0  }
0x9: {  	[smem:$0x3FAE] =	sst s1  }
0xa: {  	[smem:$0x3FAF] =	sst s2  }
0xb: {  	[smem:$0x3FB0] =	sst s3  }
0xc: {  	[smem:$0x3FB1] =	sst s4  }
0xd: {  	[smem:$0x3FB2] =	sst s5  }
0xe: {  	[smem:$0x3FB3] =	sst s6  }
0xf: {  	[smem:$0x3FB4] =	sst s7  }
0x10: {  	[smem:$0x3FB5] =	sst s8  }
0x11: {  	[smem:$0x3FB6] =	sst s9;
	s0 =	simm.s32 @!p0 $0x0  }
0x12: {  	s1 =	sld [smem:$0x3F9C];
	s0 =	simm.s32 @p0 $0x1  }
0x13: {  	[smem:$0x3FB7] =	sst s0;
	s0 =	simm.s32 @!p1 $0x0  }
0x14: {  	s2 =	sld [smem:$0x3F9B];
	s0 =	simm.s32 @p1 $0x1  }
0x15: {  	[smem:$0x3FB8] =	sst s0;
	s0 =	simm.s32 @!p2 $0x0  }
0x16: {  	s3 =	sld [smem:$0x3FDB];
	s0 =	simm.s32 @p2 $0x1  }
0x17: {  	s4 =	simm.s32 $0x1BF5;
	[smem:$0x3FBA] =	sst s0  }
0x18: {  	s0 =	sld [smem:$0x3F9D];
	_ =	swait.ge [sflag:s4], $0x0  }
0x19: {  	s7 =	sld [smem:$0x3F9E]  }
0x1a: {  	s8 =	sadd.s32 $0xFFFFE003, lr  }
0x1b: {  	s9 =	sadd.s32 $0xFFFFFEF7, lr;
	s5 =	simm.s32 $0xFFFFFFFF;
	p2 =	slt.u32 s8, $0xFFFFF086  }
0x1c: {  	p1 =	slt.u32 s9, $0xF7A;
	s5 =	simm.s32 @!p2 $0x0  }
0x1d: {  	s5 =	simm.s32 @p1 $0x1;
	p0 =	seq.s32 s7, s2  }
0x1e: {  	s7 =	smul.u32 @!p0 $0xF7A, s2;
	p2 =	seq.s32 @!p0 s5, $0x0  }
0x1f: {  	s9 =	smul.u32 $0xF7A, s1;
	s8 =	simm.s32 @!p0 $0x1BF5;
	p2 =	por !p2, p0  }
0x20: {  	[sflag:s8] =	ssyncset.s32 @!p0 $0xFFFFF086;
	s6 =	sadd.s32 @!p0 s3, s7;
	s7 =	simm.s32 @!p0 $0x108  }
0x21: {  	s3 =	sadd.s32 s3, s9;
	s6 =	sadd.s32 @!p0 $0x88, s6;
	s7 =	simm.s32 @p2 $0x1082  }
0x22: {  	[simem:s7], [sflag:s8] =	dma.local @!p0 [hbm:s6], $0xF7A  }
0x23: {  	s9 =	sor.u32 $0xD0000000, s2;
	s6 =	simm.s32 $0x108;
	_ =	swait.ge @!p0 [sflag:s8], $0x0  }
0x24: {  	s3 =	sadd.s32 $0x88, s3;
	s6 =	simm.s32 @!p1 $0x1082;
	[sflag:s4] =	ssyncset.s32 $0xFFFFF086  }
0x25: {  	[simem:s6], [sflag:s4] =	dma.local [hbm:s3], $0xF7A  }
0x26: {  	[smem:$0x3F9E] =	sst s1;
	(tag) =	ssettag s2;
	_ =	strace s9  }
0x27: {  	s1 =	sld [smem:$0x3FAE]  }
0x28: {  	s2 =	sld [smem:$0x3FAF]  }
0x29: {  	s4 =	sld [smem:$0x3FB1]  }
0x2a: {  	p0 =	seq.s32 s5, $0x0;
	s5 =	sld [smem:$0x3FB2]  }
0x2b: {  	s6 =	sld [smem:$0x3FB3]  }
0x2c: {  	s7 =	sld [smem:$0x3FB4]  }
0x2d: {  	s3 =	simm.s32 $0x108;
	s8 =	sld [smem:$0x3FB5]  }
0x2e: {  	s3 =	simm.s32 @!p0 $0x1082;
	s9 =	sld [smem:$0x3FB6]  }
0x2f: {  	lr =	sadd.s32 s0, s3;
	s0 =	sld [smem:$0x3FAD]  }
0x30: {  	s3 =	sld [smem:$0x3FB0]  }
0x31: {  	[smem:$0x3FB9] =	sst s10  }
0x32: {  	s10 =	sld [smem:$0x3FB7];
	_ =	sdelay $0x3  }
0x33: {  	p0 =	seq.s32 s10, $0x1;
	s10 =	sld [smem:$0x3FB9];
	_ =	sdelay $0x3  }
0x34: {  	[smem:$0x3FB9] =	sst s10  }
0x35: {  	s10 =	sld [smem:$0x3FB8];
	_ =	sdelay $0x3  }
0x36: {  	p1 =	seq.s32 s10, $0x1;
	s10 =	sld [smem:$0x3FB9];
	_ =	sdelay $0x3  }
0x37: {  	[smem:$0x3FB9] =	sst s10  }
0x38: {  	s10 =	sld [smem:$0x3FBA]  }
0x39: {  	_ = 	snop;
	(pc) =	sbr.ind lr, $3  }
0x3a: {  	_ = 	snop  }
0x3b: {  	_ = 	snop  }
0x3c: {  	p2 =	seq.s32 s10, $0x1;
	s10 =	sld [smem:$0x3FB9]  }
0x3d: {  	_ =	shalt  }
0x3e: {  	_ =	shalt  }
0x3f: {  	_ =	shalt  }
0x40: {  	_ =	shalt  }
0x41: {  	_ =	shalt  }
0x42: {  	_ =	shalt  }
0x43: {  	_ =	shalt  }
0x44: {  	_ =	shalt  }
0x45: {  	_ =	shalt  }
0x46: {  	_ =	shalt  }
0x47: {  	_ =	shalt  }
0x48: {  	_ =	shalt  }
0x49: {  	_ =	shalt  }
0x4a: {  	_ =	shalt  }
0x4b: {  	_ =	shalt  }
0x4c: {  	_ =	shalt  }
0x4d: {  	_ =	shalt  }
0x4e: {  	_ =	shalt  }
0x4f: {  	_ =	shalt  }
0x50: {  	_ =	shalt  }
0x51: {  	_ =	shalt  }
0x52: {  	_ =	shalt  }
0x53: {  	_ =	shalt  }
0x54: {  	_ =	shalt  }
0x55: {  	_ =	shalt  }
0x56: {  	_ =	shalt  }
0x57: {  	_ =	shalt  }
0x58: {  	_ =	shalt  }
0x59: {  	_ =	shalt  }
0x5a: {  	_ =	shalt  }
0x5b: {  	_ =	shalt  }
0x5c: {  	_ =	shalt  }
0x5d: {  	_ =	shalt  }
0x5e: {  	_ =	shalt  }
0x5f: {  	_ =	shalt  }
0x60: {  	_ =	shalt  }
0x61: {  	_ =	shalt  }
0x62: {  	_ =	shalt  }
0x63: {  	_ =	shalt  }
0x64: {  	_ =	shalt  }
0x65: {  	_ =	shalt  }
0x66: {  	_ =	shalt  }
0x67: {  	_ =	shalt  }
0x68: {  	_ =	shalt  }
0x69: {  	_ =	shalt  }
0x6a: {  	_ =	shalt  }
0x6b: {  	_ =	shalt  }
0x6c: {  	_ =	shalt  }
0x6d: {  	_ =	shalt  }
0x6e: {  	_ =	shalt  }
0x6f: {  	_ =	shalt  }
0x70: {  	_ =	shalt  }
0x71: {  	_ =	shalt  }
0x72: {  	_ =	shalt  }
0x73: {  	_ =	shalt  }
0x74: {  	_ =	shalt  }
0x75: {  	_ =	shalt  }
0x76: {  	_ =	shalt  }
0x77: {  	_ =	shalt  }
0x78: {  	_ =	shalt  }
0x79: {  	_ =	shalt  }
0x7a: {  	_ =	shalt  }
0x7b: {  	_ =	shalt  }
0x7c: {  	_ =	shalt  }
0x7d: {  	_ =	shalt  }
0x7e: {  	_ =	shalt  }
0x7f: {  	_ =	shalt  }
0x80: {  	_ =	shalt  }
0x81: {  	_ =	shalt  }
0x82: {  	_ =	shalt  }
0x83: {  	_ =	shalt  }
0x84: {  	_ =	shalt  }
0x85: {  	_ =	shalt  }
0x86: {  	_ =	shalt  }
0x87: {  	_ =	shalt  }
.Lfunc_end0:
.L_simem_size_0:
called_computation_lowered:
.L_overlay_start_0:
0x88: {  	s2 =	sld [smem:$0x3FD9]  }
0x89: {  	s3 =	sld [smem:$0x3FFE];
	_ =	sdelay $0x1  }
0x8a: {  	s1 =	srdreg.scid  }
0x8b: {  	s0 =	sand.u32 $0x1, s1  }
0x8c: {  	s17 =	sshll.u32 s0, $0xA;
	s2 =	sadd.s32 s3, s2  }
0x8d: {  	s2 =	sadd.s32 s2, s17  }
0x8e: {  	[smem:$0x3FC5] =	sst s2  }
0x8f: {  	_ = 	snop  }
0x90: {  	s2 =	sld [smem:$0x3FD0];
	(tm) =	ssettm $0x1  }
0x91: {  	s18 =	sld [smem:$0x3FFB];
	_ =	sdelay $0x3  }
0x92: {  	_ =	strace s18  }
0x93: {  	s3 =	sld [smem:$0x3FFC];
	_ =	sdelay $0x3  }
0x94: {  	_ =	strace s3  }
0x95: {  	s3 =	sld [smem:$0x3FFD];
	_ =	sdelay $0x3  }
0x96: {  	_ =	strace s3  }
0x97: {  	_ =	strace $0x8FFFFFFF  }
0x98: {  	s19 =	sld [smem:$0x3FDB];
	_ =	sdelay $0x1  }
0x99: {  	s4 =	simm.s32 $_scs_section_size  }
0x9a: {  	s5 =	simm.s32 $_size__tile_overlayer_lowered;
	s6 =	simm.s32 $_tile_overlayer_lowered  }
0x9b: {  	s22 =	simm.s32 $0x1BFF;
	s21 =	sshll.u32 s6, $0x1;
	s3 =	sadd.s32 s4, s19  }
0x9c: {  	s7 =	simm.s32 $0x0;
	s20 =	sshll.u32 s5, $0x1;
	s5 =	sadd.s32 s21, s3  }
0x9d: {  	[timem:s7], [sflag:s22] =	dma.local [hbm:s5], s20  }
0x9e: {  	_ =	swait.ge [sflag:s22], s20  }
0x9f: {  	s4 =	ssub.s32 $0x0, s20;
	[sflag:s22] =	ssyncset.done $0x0  }
0xa0: {  	[sflag:s22] =	ssyncadd.s32 s4;
	_ =	sdelay $0x1  }
0xa1: {  	s23 =	simm.s32 $0x1B8B  }
0xa2: {  	_ =	swait.ge [sflag:s23], $0x1  }
0xa3: {  	[sflag:s23] =	ssyncset.done $0x0  }
0xa4: {  	s25 =	simm.s32 $0x1B8E;
	s24 =	sld [smem:$0x3FFE];
	[sflag:s23] =	ssyncadd.s32 $0xFFFFFFFF  }
0xa5: {  	s26 =	simm.s32 $execute0_lowered;
	[smem:$0x3FD2] =	sst s25  }
0xa6: {  	s5 =	sshll.u32 s26, $0x1;
	_ =	strace $0x80000046;
	[dreg:$0x1] =	wrdreg $0xFFFFFFFF  }
0xa7: {  	s28 =	simm.s32 $_size_execute0_lowered;
	s3 =	sadd.s32 s3, s5;
	[dreg:$0x0] =	wrdreg $0x0  }
0xa8: {  	s5 =	sshll.u32 s28, $0x1;
	[dreg:$0x2] =	wrdreg s3  }
0xa9: {  	[dreg:$0x3] =	wrdreg s5  }
0xaa: {  	[dreg:$0x4] =	wrdreg $0xC0  }
0xab: {  	_ =	task [dreg:s7], $0x5FFFF  }
0xac: {  	[dreg:$0x1] =	wrdreg $0xFFFFFFFF  }
0xad: {  	[dreg:$0x0] =	wrdreg $0x60  }
0xae: {  	[dreg:$0x2] =	wrdreg s24  }
0xaf: {  	[dreg:$0x3] =	wrdreg s2  }
0xb0: {  	[dreg:$0x4] =	wrdreg $0x0  }
0xb1: {  	[dreg:$0x5] =	wrdreg $0x9  }
0xb2: {  	_ =	task.clear_ibuf [dreg:s7], $0x6FFFF;
	_ =	strace $0x90000046  }
0xb3: {  	s29 =	simm.s32 $0x9;
	_ =	strace $0x80000048  }
0xb4: {  	_ =	swait.ge [sflag:s29], $0x1  }
0xb5: {  	[sflag:s29] =	ssyncadd.s32 $0xFFFFFFFF  }
0xb6: {  	_ =	strace $0x90000048  }
0xb7: {  	_ =	sfence  }
0xb8: {  	s30 =	sld [smem:$0x0];
	_ =	sdelay $0x2  }
0xb9: {  	s31 =	sshll.u32 s1, $0xD;
	s1 =	sshrl.u32 s1, $0x2  }
0xba: {  	s3 =	sand.u32 $0x4000, s31;
	s1 =	sadd.s32 s1, s30  }
0xbb: {  	s0 =	sor.u32 s3, s0;
	s1 =	sshll.u32 s1, $0x11  }
0xbc: {  	s0 =	sor.u32 s1, s0  }
0xbd: {  	s0 =	sadd.s32 $0x8F2B, s0  }
0xbe: {  	[sflag:s0] =	ssyncadd.remote.s32 $0x1  }
0xbf: {  	_ =	sfence.sel $0xFFFF  }
0xc0: {  	[dreg:$0x0] =	wrdreg $0xFFFFFFFF;
	(pc) =	sbr.abs _section_cstart, $3  }
0xc1: {  	[dreg:$0x1] =	wrdreg $0xFFFFFFFF  }
0xc2: {  	_ =	task.clear_ibuf [dreg:s7], $0x2FFFF;
	_ =	strace $0x9FFFFFFF  }
0xc3: {  	(tm) =	ssettm $0x7FFFFFFF  }
tec
execute0_lowered:
.L_overlay_start_1:
0x0: {  	(tag) =	ssettag $0x1  }
0x1: {  	s0 =	rddreg [dreg:$0x0]  }
0x2: {  	s1 =	rddreg [dreg:$0x1]  }
0x3: {  	s4 =	rddreg [dreg:$0x2];
	s3 =	srdreg.scid  }
0x4: {  	s13 =	stileid.u32;
	s2 =	simm.s32 $0x0;
	s17 =	simm.s32 $0x1  }
0x5: {  	s18 =	simm.s32 $0x80;
	s20 =	simm.s32 $0x3;
	s21 =	simm.s32 $0x100  }
0x6: {  	s23 =	simm.s32 $0x400;
	s24 =	simm.s32 $0x8600;
	s28 =	simm.s32 $0x500  }
0x7: {  	s29 =	simm.s32 $0x0;
	s5 =	sand.u32 $0x1, s3;
	s25 =	sshll.u32 s13, $0x1  }
0x8: {  	[smem:$0x7FF] =	sst s2;
	s3 =	sadd.s32 $0xF42E00, s0;
	s10 =	sadd.s32 $0xA00, s0  }
0x9: {  	s9 =	sshll.u32 s13, $0xA;
	s26 =	sshll.u32 s13, $0x6;
	s6 =	sor.u32 s5, s25  }
0xa: {  	_ =	strace $0x80000047;
	s5 =	ssub.s32 $0x2, s5;
	s9 =	sand.u32 $0x3000, s9  }
0xb: {  	s7 =	sshll.u32 s6, $0x6;
	s11 =	sshll.u32 s6, $0x7;
	s12 =	sshrl.u32 s5, $0x1  }
0xc: {  	s4 =	sadd.s32 s9, s4;
	s30 =	sshll.u32 s6, $0xD;
	s6 =	sor.u32 $0x1C03, s26  }
0xd: {  	s26 =	simm.s32 $0x2;
	s8 =	sadd.s32 s7, s0;
	s11 =	sand.u32 $0x380, s11  }
0xe: {  	s0 =	sadd.s32 $0x41200, s0;
	s12 =	ssub.s32 s5, s12;
	s5 =	sadd.s32 s1, s7  }
0xf: {  	s31 =	sor.u32 $0x1000, s30;
	s4 =	sadd.s32 s11, s4;
	s7 =	sadd.s32 $0x40A00, s8  }
0x10: {  	s8 =	sadd.s32 s10, s30;
	s9 =	sadd.s32 s0, s30;
	s10 =	sadd.s32 s10, s31  }
0x11: {  	s11 =	sadd.s32 s0, s31;
	s12 =	smax.u32 s12, $0x1;
	s13 =	sadd.s32 $0x400, s4  }
0x12: {  	s14 =	sadd.s32 $0x800, s4;
	s15 =	sadd.s32 $0xC00, s4;
	s16 =	sshrl.u32 s4, $0x3  }
.LBB2_1:
0x13: {  	s0 =	simm.s32 $0x10  }
0x14: {  	[spmem:s16@s18], [sflag:s6] =	dma.strided [hbm:s5@s0], $0x40, s17, $0x10   }
0x15: {  	_ =	swait.ge [sflag:s20], $0x40  }
0x16: {  	[sflag:s20] =	ssyncset.done $0x0  }
0x17: {  	[sflag:s20] =	ssyncadd.s32 $0xFFFFFFC0  }
0x18: {  	[smem:s2], [sflag:$0x3] =	stream.linear.gather [spmem:s4], $0x80, $0x38;
	[tilespmem:$0x10600] =	vst v63  }
0x19: {  	_ = 	snop  }
0x1a: {  	[smem:s18], [sflag:$0x3] =	stream.linear.gather [spmem:s13], $0x80, $0x38;
	[tilespmem:$0x10600] =	vst v63  }
0x1b: {  	_ = 	snop  }
0x1c: {  	[smem:s21], [sflag:$0x3] =	stream.linear.gather [spmem:s14], $0x80, $0x38;
	[tilespmem:$0x10600] =	vst v63  }
0x1d: {  	s19 =	simm.s32 $0x180  }
0x1e: {  	[smem:s19], [sflag:$0x3] =	stream.linear.gather [spmem:s15], $0x80, $0x38;
	[tilespmem:$0x10600] =	vst v63  }
0x1f: {  	_ =	swait.ge [sflag:s20], $0x200  }
0x20: {  	[sflag:s20] =	ssyncset.done $0x0  }
0x21: {  	[sflag:s20] =	ssyncadd.s32 $0xFFFFFE00  }
0x22: {  	[tilespmem:s23], [sflag:$0x3] =	stream.linear.gather [hbm4b:s7+s2], $0x200, $0x38;
	[tilespmem:$0x10600] =	vst v63  }
0x23: {  	_ =	swait.ge [sflag:s20], $0x200  }
0x24: {  	[sflag:s20] =	ssyncset.done $0x0  }
0x25: {  	[sflag:s20] =	ssyncadd.s32 $0xFFFFFE00  }
0x26: {  	[tilespmem:s24], [sflag:$0x2] =	stream.linear.gather [hbm4b:s8+s2], $0x8000, $0x38;
	[tilespmem:$0x10600] =	vst v63  }
0x27: {  	s22 =	simm.s32 $0x600  }
0x28: {  	[tilespmem:s22], [sflag:$0x1] =	stream.indirect.gather [hbm4b:s3+s21], $0x80, s23, s21, $0xb8;
	[tilespmem:$0x10600] =	vst v63  }
0x29: {  	_ =	swait.ge [sflag:s17], $0x8000  }
0x2a: {  	[sflag:s17] =	ssyncset.done $0x0  }
0x2b: {  	[sflag:s17] =	ssyncadd.s32 $0xFFFF8000  }
0x2c: {  	_ =	swait.ge [sflag:s26], $0x8000  }
0x2d: {  	[sflag:s26] =	ssyncset.done $0x0  }
0x2e: {  	[sflag:s26] =	ssyncadd.s32 $0xFFFF8000  }
0x2f: {  	s25 =	sld [smem:$0x0];
	_ =	sdelay $0x2  }
0x30: {  	s0 =	sshll.u32 s25, $0x2  }
0x31: {  	s30 =	simm.s32 $0x0;
	s1 =	sadd.s32 $0x0, s0  }
0x32: {  	v0 =	vld [tilespmem:s30+$0x8600];
	s1 =	sshra.s32 s1, $0x2  }
0x33: {  	v1 =	vld [tilespmem:s1+$0x600];
	_ =	sdelay $0x4  }
0x34: {  	v0 =	vmul.f32 v1, v0  }
0x35: {  	s0 =	sshra.s32 s0, $0x2  }
0x36: {  	s0 =	sadd.s32 $0x0, s0;
	[tilespmem:s30+$0x8600] =	vst v0;
	v0 =	vld [tilespmem:s30+$0x8610]  }
0x37: {  	v1 =	vld [tilespmem:s0+$0x610];
	_ =	sdelay $0x4  }
0x38: {  	v0 =	vmul.f32 v1, v0;
	_ =	sdelay $0x1  }
0x39: {  	[tilespmem:s30+$0x8610] =	vst v0;
	v0 =	vld [tilespmem:s30+$0x8620]  }
0x3a: {  	v1 =	vld [tilespmem:s0+$0x620];
	_ =	sdelay $0x4  }
0x3b: {  	v0 =	vmul.f32 v1, v0;
	_ =	sdelay $0x1  }
0x3c: {  	[tilespmem:s30+$0x8620] =	vst v0;
	v0 =	vld [tilespmem:s30+$0x8630]  }
0x3d: {  	v1 =	vld [tilespmem:s1+$0x630]  }
0x3e: {  	s31 =	simm.s32 $0x1  }
0x3f: {  	s0 =	simm.s32 $0x200;
	s19 =	sld [smem:$0x1];
	s1 =	simm.s32 $0x400  }
.LBB2_2:
0x40: {  	p0 =	sne.s32 s1, $0x1FE00;
	_ =	sdelay $0x1  }
0x41: {  	s19 =	sshll.u32 s19, $0x2;
	v0 =	vmul.f32 v1, v0  }
0x42: {  	s22 =	sshra.s32 s0, $0x2;
	s25 =	sadd.s32 s19, s0;
	s0 =	smov.u32 s1  }
0x43: {  	v1 =	vld [tilespmem:s22+$0x8600];
	s25 =	sshra.s32 s25, $0x2;
	[tilespmem:s30+$0x8630] =	vst v0;
	s30 =	smov.u32 s22  }
0x44: {  	v0 =	vld [tilespmem:s25+$0x600];
	_ =	sdelay $0x4  }
0x45: {  	v0 =	vmul.f32 v0, v1  }
0x46: {  	s19 =	sshra.s32 s19, $0x2  }
0x47: {  	s19 =	sadd.s32 s30, s19;
	[tilespmem:s30+$0x8600] =	vst v0;
	v0 =	vld [tilespmem:s30+$0x8610]  }
0x48: {  	v1 =	vld [tilespmem:s19+$0x610];
	_ =	sdelay $0x4  }
0x49: {  	v0 =	vmul.f32 v1, v0;
	_ =	sdelay $0x1  }
0x4a: {  	[tilespmem:s30+$0x8610] =	vst v0;
	v0 =	vld [tilespmem:s30+$0x8620]  }
0x4b: {  	v1 =	vld [tilespmem:s19+$0x620];
	_ =	sdelay $0x4  }
0x4c: {  	v0 =	vmul.f32 v1, v0  }
.Ltmp0:
0x4d: {  	(pc) =	sbr.rel @p0 .LBB2_2-.Ltmp0, $4  }
0x4e: {  	[tilespmem:s30+$0x8620] =	vst v0;
	v0 =	vld [tilespmem:s30+$0x8630]  }
0x4f: {  	v1 =	vld [tilespmem:s25+$0x630]  }
0x50: {  	s31 =	sadd.s32 $0x1, s31  }
0x51: {  	s1 =	sadd.s32 $0x200, s1;
	s19 =	sld [smem:s31+$0x0]  }
0x52: {  	_ =	sdelay $0x1  }
0x53: {  	s1 =	sshll.u32 s19, $0x2;
	v0 =	vmul.f32 v1, v0  }
0x54: {  	s22 =	sshra.s32 s0, $0x2;
	s25 =	sadd.s32 s1, s0  }
0x55: {  	v1 =	vld [tilespmem:s22+$0x8600];
	s0 =	sshra.s32 s25, $0x2;
	[tilespmem:s30+$0x8630] =	vst v0  }
0x56: {  	v0 =	vld [tilespmem:s0+$0x600];
	_ =	sdelay $0x4  }
0x57: {  	v0 =	vmul.f32 v0, v1  }
0x58: {  	s1 =	sshra.s32 s1, $0x2  }
0x59: {  	s1 =	sadd.s32 s22, s1;
	[tilespmem:s22+$0x8600] =	vst v0;
	v0 =	vld [tilespmem:s22+$0x8610]  }
0x5a: {  	v1 =	vld [tilespmem:s1+$0x610];
	_ =	sdelay $0x4  }
0x5b: {  	v0 =	vmul.f32 v1, v0;
	_ =	sdelay $0x1  }
0x5c: {  	[tilespmem:s22+$0x8610] =	vst v0;
	v0 =	vld [tilespmem:s22+$0x8620]  }
0x5d: {  	v1 =	vld [tilespmem:s1+$0x620];
	_ =	sdelay $0x4  }
0x5e: {  	v0 =	vmul.f32 v1, v0;
	_ =	sdelay $0x1  }
0x5f: {  	[tilespmem:s22+$0x8620] =	vst v0;
	v0 =	vld [tilespmem:s22+$0x8630]  }
0x60: {  	v1 =	vld [tilespmem:s0+$0x630];
	_ =	sdelay $0x4  }
0x61: {  	v0 =	vmul.f32 v1, v0;
	_ =	sdelay $0x1  }
0x62: {  	[tilespmem:s22+$0x8630] =	vst v0;
	s22 =	simm.s32 $0x0  }
0x63: {  	[hbm4b:s9+s22] =	stream.linear.scatter [tilespmem:s24], [sflag:$0x3], $0x8000, $0x38;
	[tilespmem:$0x10600] =	vst v63  }
0x64: {  	_ =	swait.ge [sflag:s20], $0x8000  }
0x65: {  	[sflag:s20] =	ssyncset.done $0x0  }
0x66: {  	[sflag:s20] =	ssyncadd.s32 $0xFFFF8000  }
0x67: {  	[tilespmem:s24], [sflag:$0x2] =	stream.linear.gather [hbm4b:s10+s22], $0x8000, $0x38;
	[tilespmem:$0x10600] =	vst v63  }
0x68: {  	s30 =	simm.s32 $0x600  }
0x69: {  	[tilespmem:s30], [sflag:$0x1] =	stream.indirect.gather [hbm4b:s3+s21], $0x80, s28, s21, $0xb8;
	[tilespmem:$0x10600] =	vst v63  }
0x6a: {  	_ =	swait.ge [sflag:s17], $0x8000  }
0x6b: {  	[sflag:s17] =	ssyncset.done $0x0  }
0x6c: {  	[sflag:s17] =	ssyncadd.s32 $0xFFFF8000  }
0x6d: {  	_ =	swait.ge [sflag:s26], $0x8000  }
0x6e: {  	s0 =	sand.u32 $0xFF, s22;
	[sflag:s26] =	ssyncset.done $0x0  }
0x6f: {  	s0 =	sor.u32 $0x100, s0;
	[sflag:s26] =	ssyncadd.s32 $0xFFFF8000  }
0x70: {  	s0 =	sld [smem:s0+$0x0];
	_ =	sdelay $0x2  }
0x71: {  	s0 =	sshll.u32 s0, $0x2  }
0x72: {  	s31 =	simm.s32 $0x8620;
	s0 =	sshra.s32 s0, $0x2  }
0x73: {  	v0 =	vld [tilespmem:s31+$0xFFFFFFE0];
	s0 =	sadd.s32 $0x600, s0  }
0x74: {  	v1 =	vld [tilespmem:s0+$0x0];
	_ =	sdelay $0x4  }
0x75: {  	v0 =	vmul.f32 v1, v0;
	_ =	sdelay $0x1  }
0x76: {  	[tilespmem:s31+$0xFFFFFFE0] =	vst v0;
	v0 =	vld [tilespmem:s31+$0xFFFFFFF0]  }
0x77: {  	v1 =	vld [tilespmem:s0+$0x10];
	_ =	sdelay $0x4  }
0x78: {  	v0 =	vmul.f32 v1, v0;
	_ =	sdelay $0x1  }
0x79: {  	[tilespmem:s31+$0xFFFFFFF0] =	vst v0;
	v0 =	vld [tilespmem:s31+$0x0]  }
0x7a: {  	v1 =	vld [tilespmem:s0+$0x20];
	_ =	sdelay $0x4  }
0x7b: {  	v0 =	vmul.f32 v1, v0;
	_ =	sdelay $0x1  }
0x7c: {  	s25 =	simm.s32 $0x1;
	[tilespmem:s31+$0x0] =	vst v0;
	v0 =	vld [tilespmem:s31+$0x10]  }
0x7d: {  	s19 =	sand.u32 $0xFF, s25;
	s1 =	simm.s32 $0x2;
	v1 =	vld [tilespmem:s0+$0x30];
	s0 =	simm.s32 $0x8620  }
.LBB2_4:
0x7e: {  	p0 =	sne.s32 s1, $0xFF;
	s19 =	sor.u32 $0x100, s19  }
0x7f: {  	s19 =	sld [smem:s19+$0x0];
	_ =	sdelay $0x2  }
0x80: {  	s19 =	sshll.u32 s19, $0x2;
	v0 =	vmul.f32 v1, v0  }
0x81: {  	s30 =	sadd.s32 $0x80, s30;
	s31 =	sadd.s32 $0x80, s31;
	s19 =	sshra.s32 s19, $0x2  }
0x82: {  	v1 =	vld [tilespmem:s31+$0xFFFFFFE0];
	s22 =	sadd.s32 s19, s30;
	[tilespmem:s0+$0x10] =	vst v0;
	s0 =	smov.u32 s31  }
0x83: {  	v0 =	vld [tilespmem:s22+$0x0];
	_ =	sdelay $0x4  }
0x84: {  	v0 =	vmul.f32 v0, v1;
	_ =	sdelay $0x1  }
0x85: {  	[tilespmem:s31+$0xFFFFFFE0] =	vst v0;
	v0 =	vld [tilespmem:s31+$0xFFFFFFF0]  }
0x86: {  	v1 =	vld [tilespmem:s22+$0x10];
	_ =	sdelay $0x4  }
0x87: {  	v0 =	vmul.f32 v1, v0;
	_ =	sdelay $0x1  }
0x88: {  	[tilespmem:s31+$0xFFFFFFF0] =	vst v0;
	v0 =	vld [tilespmem:s31+$0x0]  }
0x89: {  	v1 =	vld [tilespmem:s22+$0x20];
	_ =	sdelay $0x3  }
.Ltmp1:
0x8a: {  	(pc) =	sbr.rel @p0 .LBB2_4-.Ltmp1, $3  }
0x8b: {  	v0 =	vmul.f32 v1, v0;
	_ =	sdelay $0x1  }
0x8c: {  	[tilespmem:s31+$0x0] =	vst v0;
	v0 =	vld [tilespmem:s31+$0x10]  }
0x8d: {  	s19 =	sand.u32 $0xFF, s1;
	s1 =	sadd.s32 $0x1, s1;
	v1 =	vld [tilespmem:s22+$0x30]  }
0x8e: {  	s1 =	sor.u32 $0x100, s19  }
0x8f: {  	s1 =	sld [smem:s1+$0x0];
	_ =	sdelay $0x2  }
0x90: {  	s1 =	sshll.u32 s1, $0x2;
	v0 =	vmul.f32 v1, v0  }
0x91: {  	s31 =	sadd.s32 $0x80, s31;
	s22 =	sadd.s32 $0x80, s30;
	s1 =	sshra.s32 s1, $0x2  }
0x92: {  	v57 =	vld [tilespmem:s31+$0xFFFFFFE0];
	s1 =	sadd.s32 s1, s22;
	[tilespmem:s0+$0x10] =	vst v0  }
0x93: {  	v0 =	vld [tilespmem:s1+$0x0];
	_ =	sdelay $0x4  }
0x94: {  	v0 =	vmul.f32 v0, v57;
	_ =	sdelay $0x1  }
0x95: {  	v58 =	vld [tilespmem:s31+$0xFFFFFFF0];
	[tilespmem:s31+$0xFFFFFFE0] =	vst v0  }
0x96: {  	v59 =	vld [tilespmem:s1+$0x10];
	_ =	sdelay $0x4  }
0x97: {  	v0 =	vmul.f32 v59, v58;
	_ =	sdelay $0x1  }
0x98: {  	v60 =	vld [tilespmem:s31+$0x0];
	[tilespmem:s31+$0xFFFFFFF0] =	vst v0  }
0x99: {  	v61 =	vld [tilespmem:s1+$0x20];
	_ =	sdelay $0x4  }
0x9a: {  	v0 =	vmul.f32 v61, v60;
	_ =	sdelay $0x1  }
0x9b: {  	v62 =	vld [tilespmem:s31+$0x10];
	[tilespmem:s31+$0x0] =	vst v0  }
0x9c: {  	v63 =	vld [tilespmem:s1+$0x30];
	_ =	sdelay $0x4  }
0x9d: {  	s29 =	sadd.s32 $0x1, s29;
	v0 =	vmul.f32 v63, v62  }
0x9e: {  	p0 =	sne.s32 s29, s12  }
.Ltmp2:
0x9f: {  	[tilespmem:s31+$0x10] =	vst v0;
	(pc) =	sbr.rel @p0 .LBB2_1-.Ltmp2, $4  }
0xa0: {  	[hbm4b:s11+s2] =	stream.linear.scatter [tilespmem:s24], [sflag:$0x3], $0x8000, $0x38;
	[tilespmem:$0x10600] =	vst v63  }
0xa1: {  	_ =	swait.ge [sflag:s20], $0x8000  }
0xa2: {  	[sflag:s20] =	ssyncset.done $0x0  }
0xa3: {  	[sflag:s20] =	ssyncadd.s32 $0xFFFF8000  }
0xa4: {  	_ =	sfence.sel $0x180000  }
0xa5: {  	[bflag:$0x0] =	sbarrier.arrive $0xFFFF  }
0xa6: {  	_ =	strace $0x90000047  }
0xa7: {  	s0 =	stileid.u32;
	[bflag:$0x2] =	sbarrier.arrive $0xFFFF  }
0xa8: {  	p0 =	sne.s32 s0, $0x0;
	s0 =	rddreg [dreg:$0x3]  }
0xa9: {  	s0 =	sadd.s32 @!p0 $0x100000, s0  }
0xaa: {  	[sflag:s0] =	ssyncadd.tile.s32 @!p0 $0x1;
	_ =	shalt  }
.Lfunc_end2:
_tile_overlayer_lowered:
.L_overlay_start_2:
0xab: {  	(tag) =	ssettag $0x2  }
0xac: {  	s0 =	rddreg [dreg:$0x0];
	s2 =	stileid.u32  }
0xad: {  	s1 =	rddreg [dreg:$0x1];
	p0 =	sne.s32 s2, $0x0  }
0xae: {  	s3 =	rddreg [dreg:$0x2];
	[bflag:$0x3] =	sbarrier.arrive $0xFFFF;
	s2 =	simm.s32 @!p0 $0x1C03  }
0xaf: {  	[timem:s3], [sflag:s2] =	dma.local @!p0 [hbm:s0], s1  }
0xb0: {  	s0 =	simm.s32 @!p0 $0x3  }
0xb1: {  	_ =	swait.ge @!p0 [sflag:s0], s1  }
0xb2: {  	s1 =	ssub.s32 @!p0 $0x0, s1;
	[sflag:s0] =	ssyncset.done @!p0 $0x0  }
0xb3: {  	[sflag:s0] =	ssyncadd.s32 @!p0 s1  }
0xb4: {  	[bflag:$0x3] =	sbarrier.arrive $0xFFFF  }
0xb5: {  	_ =	shalt  }

</sc_bundles>
